<compile_context>
chip_gen: v7x
topology: tpu7x:2x2x1
jax: 0.10.2.dev20260603
libtpu: 0.0.44.dev20260713+nightly
codegen_flags: <defaults>
</compile_context>

<pallas_src>
import functools
import jax
import jax.numpy as jnp
from jax import lax
from jax.experimental import pallas as pl
from jax.experimental.pallas import tpu as pltpu
from jax.experimental.pallas import tpu_sc as plsc

_B = 16384
_D = 64
_H = 128

_info = plsc.get_sparse_core_info()
_NC, _NS = _info.num_cores, _info.num_subcores
_NW = _NC * _NS
_BPW = _B // _NW
_NSTR = 16
_CH = _BPW // _NSTR

_sc_mesh = plsc.VectorSubcoreMesh(core_axis_name="c", subcore_axis_name="s")


@functools.partial(
    pl.kernel,
    out_type=(
        jax.ShapeDtypeStruct((_B, _D), jnp.float32),
        jax.ShapeDtypeStruct((_B, _D), jnp.float32),
    ),
    mesh=_sc_mesh,
    scratch_types=[
        pltpu.VMEM((_BPW,), jnp.int32),
        pltpu.VMEM((_BPW,), jnp.int32),
        pltpu.VMEM((_BPW, _D), jnp.float32),
        pltpu.VMEM((_BPW, _D), jnp.float32),
        pltpu.SemaphoreType.DMA,
        pltpu.SemaphoreType.DMA,
    ],
    compiler_params=pltpu.CompilerParams(use_tc_tiling_on_sc=False),
)
def _sc_gather(user_hbm, art_hbm, utab_hbm, atab_hbm, ue_hbm, ae_hbm,
               idx_u, idx_a, rows_u, rows_a, sem_u, sem_a):
    wid = lax.axis_index("s") * _NC + lax.axis_index("c")
    base = wid * _BPW
    pltpu.sync_copy(user_hbm.at[pl.ds(base, _BPW)], idx_u)
    pltpu.sync_copy(art_hbm.at[pl.ds(base, _BPW)], idx_a)

    def issue(j, carry):
        o = j * _CH
        pltpu.async_copy(
            utab_hbm.at[idx_u.at[pl.ds(o, _CH)]], rows_u.at[pl.ds(o, _CH)],
            sem_u)
        pltpu.async_copy(
            atab_hbm.at[idx_a.at[pl.ds(o, _CH)]], rows_a.at[pl.ds(o, _CH)],
            sem_a)
        return carry

    lax.fori_loop(0, _NSTR, issue, 0)

    def drain(j, carry):
        pltpu.make_async_copy(
            utab_hbm.at[pl.ds(0, _CH)], rows_u.at[pl.ds(0, _CH)], sem_u).wait()
        pltpu.make_async_copy(
            atab_hbm.at[pl.ds(0, _CH)], rows_a.at[pl.ds(0, _CH)], sem_a).wait()
        return carry

    lax.fori_loop(0, _NSTR, drain, 0)

    pltpu.sync_copy(rows_u, ue_hbm.at[pl.ds(base, _BPW)])
    pltpu.sync_copy(rows_a, ae_hbm.at[pl.ds(base, _BPW)])


_BLK = 2048


def _mlp_body(ue_ref, ae_ref, w1a_ref, w1b_ref, b1_ref, w2_ref, b2_ref, out_ref):
    h = jnp.dot(ue_ref[...], w1a_ref[...], preferred_element_type=jnp.float32)
    h += jnp.dot(ae_ref[...], w1b_ref[...], preferred_element_type=jnp.float32)
    h = jnp.maximum(h + b1_ref[...], 0.0)
    o = jnp.dot(h, w2_ref[...], preferred_element_type=jnp.float32)
    out_ref[...] = jax.nn.sigmoid(o + b2_ref[...])


_mlp = pl.pallas_call(
    _mlp_body,
    grid=(_B // _BLK,),
    in_specs=[
        pl.BlockSpec((_BLK, _D), lambda i: (i, 0)),
        pl.BlockSpec((_BLK, _D), lambda i: (i, 0)),
        pl.BlockSpec((_D, _H), lambda i: (0, 0)),
        pl.BlockSpec((_D, _H), lambda i: (0, 0)),
        pl.BlockSpec((1, _H), lambda i: (0, 0)),
        pl.BlockSpec((_H, 1), lambda i: (0, 0)),
        pl.BlockSpec((1, 1), lambda i: (0, 0)),
    ],
    out_specs=pl.BlockSpec((_BLK, 1), lambda i: (i, 0)),
    out_shape=jax.ShapeDtypeStruct((_B, 1), jnp.float32),
)


@jax.jit
def kernel(user, artwork, user_table, artwork_table, W1, b1, W2, b2):
    ue, ae = _sc_gather(user, artwork, user_table, artwork_table)
    w1a = W1[:, :_D].T
    w1b = W1[:, _D:].T
    return _mlp(ue, ae, w1a, w1b, b1.reshape(1, _H), W2.T, b2.reshape(1, 1))

# --- scband reference (transcript-rebuilt; emitter-appended) ---
"""Pipeline reference for scband-collaborative-filtering-47622597378212 (READ-ONLY COPY).

The authoritative reference and input builder live on the scoring server;
editing this copy changes nothing except your own understanding.
"""

import jax, jax.numpy as jnp
import numpy as np

NUM_USERS = 1000000
NUM_ARTWORKS = 100000
EMBED_DIM = 64
BATCH = 16384

def setup_inputs(seed: int = 0) -> dict:
    key = jax.random.key(seed)
    k1, k2, k3, k4, k5, k6, k7, k8 = jax.random.split(key, 8)
    user = jax.random.randint(k1, (BATCH,), 0, NUM_USERS, dtype=jnp.int64 if jax.config.jax_enable_x64 else jnp.int32).astype(jnp.int32)
    artwork = jax.random.randint(k2, (BATCH,), 0, NUM_ARTWORKS, dtype=jnp.int32)
    user_table = jax.random.normal(k3, (NUM_USERS, EMBED_DIM), dtype=jnp.float32)
    artwork_table = jax.random.normal(k4, (NUM_ARTWORKS, EMBED_DIM), dtype=jnp.float32)
    # fc1: Linear(embedding_dim*2 -> 128), fc2: Linear(128 -> 1)
    W1 = jax.random.normal(k5, (128, EMBED_DIM * 2), dtype=jnp.float32) * (1.0 / np.sqrt(EMBED_DIM * 2))
    b1 = jax.random.normal(k6, (128,), dtype=jnp.float32) * 0.01
    W2 = jax.random.normal(k7, (1, 128), dtype=jnp.float32) * (1.0 / np.sqrt(128))
    b2 = jax.random.normal(k8, (1,), dtype=jnp.float32) * 0.01
    return {"user": user, "artwork": artwork, "user_table": user_table,
            "artwork_table": artwork_table, "W1": W1, "b1": b1, "W2": W2, "b2": b2}

def reference(user, artwork, user_table, artwork_table, W1, b1, W2, b2):
    user_emb = jnp.take(user_table, user, axis=0)          # [B, D]
    artwork_emb = jnp.take(artwork_table, artwork, axis=0) # [B, D]
    x = jnp.concatenate([user_emb, artwork_emb], axis=1)    # [B, 2D]
    x = jax.nn.relu(x @ W1.T + b1)                           # [B, 128]
    x = jax.nn.sigmoid(x @ W2.T + b2)                        # [B, 1]
    return x

if __name__ == "__main__":
    import jax
    _d = setup_inputs()
    print(jax.jit(kernel)(*tuple(_d.values())))

</pallas_src>

<mosaic_0001>
#map = affine_map<(d0, d1) -> (0)>
#map1 = affine_map<(d0, d1) -> (0, 0)>
module attributes {stable_mosaic.version = 14 : i64} {
  func.func @_sc_gather(%arg0: i32, %arg1: i32, %arg2: memref<16384xi32, #tpu.memory_space<hbm>>, %arg3: memref<16384xi32, #tpu.memory_space<hbm>>, %arg4: memref<1000000x64xf32, #tpu.memory_space<hbm>>, %arg5: memref<100000x64xf32, #tpu.memory_space<hbm>>, %arg6: memref<16384x64xf32, #tpu.memory_space<hbm>>, %arg7: memref<16384x64xf32, #tpu.memory_space<hbm>>, %arg8: memref<512xi32, #tpu.memory_space<vmem>>, %arg9: memref<512xi32, #tpu.memory_space<vmem>>, %arg10: memref<512x64xf32, #tpu.memory_space<vmem>>, %arg11: memref<512x64xf32, #tpu.memory_space<vmem>>, %arg12: memref<!tpu.dma_semaphore, #tpu.memory_space<semaphore_mem>>, %arg13: memref<!tpu.dma_semaphore, #tpu.memory_space<semaphore_mem>>) attributes {dimension_semantics = [#tpu.dimension_semantics<core_parallel>, #tpu.dimension_semantics<subcore_parallel>], iteration_bounds = array<i64: 2, 16>, scalar_prefetch = 0 : i64, scratch_operands = 6 : i64, tpu.core_type = #tpu.core_type<sc_vector_subcore>, window_params = [{transform_indices = #map}, {transform_indices = #map}, {transform_indices = #map1}, {transform_indices = #map1}, {transform_indices = #map1}, {transform_indices = #map1}]} {
    %mul3A = arith.constant 2 : i32
    %mul3A_0 = arith.muli %arg1, %mul3A : i32
    %add3A = arith.addi %mul3A_0, %arg0 : i32
    %mul3A_1 = arith.constant 512 : i32
    %mul3A_2 = arith.muli %add3A, %mul3A_1 : i32
    "tpu.region"() ({
      %run_scoped3A = tpu.sem_alloc : memref<!tpu.dma_semaphore, #tpu.memory_space<semaphore_mem>>
      %dma_start3A = tpu.memref_slice %arg2[%mul3A_2] : memref<16384xi32, #tpu.memory_space<hbm>> -> memref<512xi32, #tpu.memory_space<hbm>>
      %dma_start3A_14 = tpu.memref_slice %arg2[%mul3A_2] : memref<16384xi32, #tpu.memory_space<hbm>> -> memref<512xi32, #tpu.memory_space<hbm>>
      tpu.enqueue_dma source(%dma_start3A_14 : memref<512xi32, #tpu.memory_space<hbm>>) target(%arg8 : memref<512xi32, #tpu.memory_space<vmem>>) target_semaphore(%run_scoped3A : memref<!tpu.dma_semaphore, #tpu.memory_space<semaphore_mem>>)
      %dma_wait3A = tpu.memref_slice %arg2[%mul3A_2] : memref<16384xi32, #tpu.memory_space<hbm>> -> memref<512xi32, #tpu.memory_space<hbm>>
      %dma_wait3A_15 = tpu.memref_slice %arg2[%mul3A_2] : memref<16384xi32, #tpu.memory_space<hbm>> -> memref<512xi32, #tpu.memory_space<hbm>>
      tpu.wait_dma2 semaphore(%run_scoped3A : memref<!tpu.dma_semaphore, #tpu.memory_space<semaphore_mem>>) src(%dma_wait3A_15 : memref<512xi32, #tpu.memory_space<hbm>>) dst(%arg8 : memref<512xi32, #tpu.memory_space<vmem>>)
      tpu.yield
    }) : () -> ()
    "tpu.region"() ({
      %run_scoped3A = tpu.sem_alloc : memref<!tpu.dma_semaphore, #tpu.memory_space<semaphore_mem>>
      %dma_start3A = tpu.memref_slice %arg3[%mul3A_2] : memref<16384xi32, #tpu.memory_space<hbm>> -> memref<512xi32, #tpu.memory_space<hbm>>
      %dma_start3A_14 = tpu.memref_slice %arg3[%mul3A_2] : memref<16384xi32, #tpu.memory_space<hbm>> -> memref<512xi32, #tpu.memory_space<hbm>>
      tpu.enqueue_dma source(%dma_start3A_14 : memref<512xi32, #tpu.memory_space<hbm>>) target(%arg9 : memref<512xi32, #tpu.memory_space<vmem>>) target_semaphore(%run_scoped3A : memref<!tpu.dma_semaphore, #tpu.memory_space<semaphore_mem>>)
      %dma_wait3A = tpu.memref_slice %arg3[%mul3A_2] : memref<16384xi32, #tpu.memory_space<hbm>> -> memref<512xi32, #tpu.memory_space<hbm>>
      %dma_wait3A_15 = tpu.memref_slice %arg3[%mul3A_2] : memref<16384xi32, #tpu.memory_space<hbm>> -> memref<512xi32, #tpu.memory_space<hbm>>
      tpu.wait_dma2 semaphore(%run_scoped3A : memref<!tpu.dma_semaphore, #tpu.memory_space<semaphore_mem>>) src(%dma_wait3A_15 : memref<512xi32, #tpu.memory_space<hbm>>) dst(%arg9 : memref<512xi32, #tpu.memory_space<vmem>>)
      tpu.yield
    }) : () -> ()
    %scan3A = arith.constant 0 : i32
    %scan3A_3 = arith.constant 0 : i32
    %scan3A_4 = arith.constant 16 : i32
    %scan3A_5 = arith.addi %scan3A_3, %scan3A_4 : i32
    %scan3A_6 = arith.constant 1 : i32
    scf.for %scan3A_14 = %scan3A_3 to %scan3A_5 step %scan3A_6  : i32 {
      %mul3A_15 = arith.constant 32 : i32
      %mul3A_16 = arith.muli %scan3A_14, %mul3A_15 : i32
      %dma_start3A = arith.constant 0 : i32
      %dma_start3A_17 = tpu.memref_slice %arg10[%mul3A_16, %dma_start3A] : memref<512x64xf32, #tpu.memory_space<vmem>> -> memref<32x64xf32, #tpu.memory_space<vmem>>
      %dma_start3A_18 = tpu.memref_slice %arg8[%mul3A_16] : memref<512xi32, #tpu.memory_space<vmem>> -> memref<32xi32, #tpu.memory_space<vmem>>
      %dma_start3A_19 = arith.constant 0 : i32
      %dma_start3A_20 = arith.constant 0 : i32
      %dma_start3A_21 = tpu.memref_slice %arg4[%dma_start3A_19, %dma_start3A_20] : memref<1000000x64xf32, #tpu.memory_space<hbm>> -> memref<1000000x64xf32, #tpu.memory_space<hbm>>
      tpu.enqueue_indirect_dma source(%dma_start3A_21 : memref<1000000x64xf32, #tpu.memory_space<hbm>>) target(%dma_start3A_17 : memref<32x64xf32, #tpu.memory_space<vmem>>) offsets(%dma_start3A_18 : memref<32xi32, #tpu.memory_space<vmem>>) semaphore(%arg12 : memref<!tpu.dma_semaphore, #tpu.memory_space<semaphore_mem>>)
      %dma_start3A_22 = arith.constant 0 : i32
      %dma_start3A_23 = tpu.memref_slice %arg11[%mul3A_16, %dma_start3A_22] : memref<512x64xf32, #tpu.memory_space<vmem>> -> memref<32x64xf32, #tpu.memory_space<vmem>>
      %dma_start3A_24 = tpu.memref_slice %arg9[%mul3A_16] : memref<512xi32, #tpu.memory_space<vmem>> -> memref<32xi32, #tpu.memory_space<vmem>>
      %dma_start3A_25 = arith.constant 0 : i32
      %dma_start3A_26 = arith.constant 0 : i32
      %dma_start3A_27 = tpu.memref_slice %arg5[%dma_start3A_25, %dma_start3A_26] : memref<100000x64xf32, #tpu.memory_space<hbm>> -> memref<100000x64xf32, #tpu.memory_space<hbm>>
      tpu.enqueue_indirect_dma source(%dma_start3A_27 : memref<100000x64xf32, #tpu.memory_space<hbm>>) target(%dma_start3A_23 : memref<32x64xf32, #tpu.memory_space<vmem>>) offsets(%dma_start3A_24 : memref<32xi32, #tpu.memory_space<vmem>>) semaphore(%arg13 : memref<!tpu.dma_semaphore, #tpu.memory_space<semaphore_mem>>)
    }
    %scan3A_7 = arith.constant 16 : i32
    %scan3A_8 = arith.constant 0 : i32
    %scan3A_9 = arith.constant 0 : i32
    %scan3A_10 = arith.constant 16 : i32
    %scan3A_11 = arith.addi %scan3A_9, %scan3A_10 : i32
    %scan3A_12 = arith.constant 1 : i32
    scf.for %scan3A_14 = %scan3A_9 to %scan3A_11 step %scan3A_12  : i32 {
      %dma_wait3A = arith.constant 0 : i32
      %dma_wait3A_15 = arith.constant 0 : i32
      %dma_wait3A_16 = tpu.memref_slice %arg10[%dma_wait3A, %dma_wait3A_15] : memref<512x64xf32, #tpu.memory_space<vmem>> -> memref<32x64xf32, #tpu.memory_space<vmem>>
      %dma_wait3A_17 = arith.constant 0 : i32
      %dma_wait3A_18 = arith.constant 0 : i32
      %dma_wait3A_19 = tpu.memref_slice %arg4[%dma_wait3A_17, %dma_wait3A_18] : memref<1000000x64xf32, #tpu.memory_space<hbm>> -> memref<32x64xf32, #tpu.memory_space<hbm>>
      %dma_wait3A_20 = arith.constant 0 : i32
      %dma_wait3A_21 = arith.constant 0 : i32
      %dma_wait3A_22 = tpu.memref_slice %arg10[%dma_wait3A_20, %dma_wait3A_21] : memref<512x64xf32, #tpu.memory_space<vmem>> -> memref<32x64xf32, #tpu.memory_space<vmem>>
      %dma_wait3A_23 = arith.constant 0 : i32
      %dma_wait3A_24 = arith.constant 0 : i32
      %dma_wait3A_25 = tpu.memref_slice %arg4[%dma_wait3A_23, %dma_wait3A_24] : memref<1000000x64xf32, #tpu.memory_space<hbm>> -> memref<32x64xf32, #tpu.memory_space<hbm>>
      tpu.wait_dma2 semaphore(%arg12 : memref<!tpu.dma_semaphore, #tpu.memory_space<semaphore_mem>>) src(%dma_wait3A_25 : memref<32x64xf32, #tpu.memory_space<hbm>>) dst(%dma_wait3A_22 : memref<32x64xf32, #tpu.memory_space<vmem>>)
      %dma_wait3A_26 = arith.constant 0 : i32
      %dma_wait3A_27 = arith.constant 0 : i32
      %dma_wait3A_28 = tpu.memref_slice %arg11[%dma_wait3A_26, %dma_wait3A_27] : memref<512x64xf32, #tpu.memory_space<vmem>> -> memref<32x64xf32, #tpu.memory_space<vmem>>
      %dma_wait3A_29 = arith.constant 0 : i32
      %dma_wait3A_30 = arith.constant 0 : i32
      %dma_wait3A_31 = tpu.memref_slice %arg5[%dma_wait3A_29, %dma_wait3A_30] : memref<100000x64xf32, #tpu.memory_space<hbm>> -> memref<32x64xf32, #tpu.memory_space<hbm>>
      %dma_wait3A_32 = arith.constant 0 : i32
      %dma_wait3A_33 = arith.constant 0 : i32
      %dma_wait3A_34 = tpu.memref_slice %arg11[%dma_wait3A_32, %dma_wait3A_33] : memref<512x64xf32, #tpu.memory_space<vmem>> -> memref<32x64xf32, #tpu.memory_space<vmem>>
      %dma_wait3A_35 = arith.constant 0 : i32
      %dma_wait3A_36 = arith.constant 0 : i32
      %dma_wait3A_37 = tpu.memref_slice %arg5[%dma_wait3A_35, %dma_wait3A_36] : memref<100000x64xf32, #tpu.memory_space<hbm>> -> memref<32x64xf32, #tpu.memory_space<hbm>>
      tpu.wait_dma2 semaphore(%arg13 : memref<!tpu.dma_semaphore, #tpu.memory_space<semaphore_mem>>) src(%dma_wait3A_37 : memref<32x64xf32, #tpu.memory_space<hbm>>) dst(%dma_wait3A_34 : memref<32x64xf32, #tpu.memory_space<vmem>>)
    }
    %scan3A_13 = arith.constant 16 : i32
    "tpu.region"() ({
      %run_scoped3A = tpu.sem_alloc : memref<!tpu.dma_semaphore, #tpu.memory_space<semaphore_mem>>
      %dma_start3A = arith.constant 0 : i32
      %dma_start3A_14 = tpu.memref_slice %arg6[%mul3A_2, %dma_start3A] : memref<16384x64xf32, #tpu.memory_space<hbm>> -> memref<512x64xf32, #tpu.memory_space<hbm>>
      %dma_start3A_15 = arith.constant 0 : i32
      %dma_start3A_16 = tpu.memref_slice %arg6[%mul3A_2, %dma_start3A_15] : memref<16384x64xf32, #tpu.memory_space<hbm>> -> memref<512x64xf32, #tpu.memory_space<hbm>>
      tpu.enqueue_dma source(%arg10 : memref<512x64xf32, #tpu.memory_space<vmem>>) target(%dma_start3A_16 : memref<512x64xf32, #tpu.memory_space<hbm>>) target_semaphore(%run_scoped3A : memref<!tpu.dma_semaphore, #tpu.memory_space<semaphore_mem>>)
      %dma_wait3A = arith.constant 0 : i32
      %dma_wait3A_17 = tpu.memref_slice %arg6[%mul3A_2, %dma_wait3A] : memref<16384x64xf32, #tpu.memory_space<hbm>> -> memref<512x64xf32, #tpu.memory_space<hbm>>
      %dma_wait3A_18 = arith.constant 0 : i32
      %dma_wait3A_19 = tpu.memref_slice %arg6[%mul3A_2, %dma_wait3A_18] : memref<16384x64xf32, #tpu.memory_space<hbm>> -> memref<512x64xf32, #tpu.memory_space<hbm>>
      tpu.wait_dma2 semaphore(%run_scoped3A : memref<!tpu.dma_semaphore, #tpu.memory_space<semaphore_mem>>) src(%arg10 : memref<512x64xf32, #tpu.memory_space<vmem>>) dst(%dma_wait3A_19 : memref<512x64xf32, #tpu.memory_space<hbm>>)
      tpu.yield
    }) : () -> ()
    "tpu.region"() ({
      %run_scoped3A = tpu.sem_alloc : memref<!tpu.dma_semaphore, #tpu.memory_space<semaphore_mem>>
      %dma_start3A = arith.constant 0 : i32
      %dma_start3A_14 = tpu.memref_slice %arg7[%mul3A_2, %dma_start3A] : memref<16384x64xf32, #tpu.memory_space<hbm>> -> memref<512x64xf32, #tpu.memory_space<hbm>>
      %dma_start3A_15 = arith.constant 0 : i32
      %dma_start3A_16 = tpu.memref_slice %arg7[%mul3A_2, %dma_start3A_15] : memref<16384x64xf32, #tpu.memory_space<hbm>> -> memref<512x64xf32, #tpu.memory_space<hbm>>
      tpu.enqueue_dma source(%arg11 : memref<512x64xf32, #tpu.memory_space<vmem>>) target(%dma_start3A_16 : memref<512x64xf32, #tpu.memory_space<hbm>>) target_semaphore(%run_scoped3A : memref<!tpu.dma_semaphore, #tpu.memory_space<semaphore_mem>>)
      %dma_wait3A = arith.constant 0 : i32
      %dma_wait3A_17 = tpu.memref_slice %arg7[%mul3A_2, %dma_wait3A] : memref<16384x64xf32, #tpu.memory_space<hbm>> -> memref<512x64xf32, #tpu.memory_space<hbm>>
      %dma_wait3A_18 = arith.constant 0 : i32
      %dma_wait3A_19 = tpu.memref_slice %arg7[%mul3A_2, %dma_wait3A_18] : memref<16384x64xf32, #tpu.memory_space<hbm>> -> memref<512x64xf32, #tpu.memory_space<hbm>>
      tpu.wait_dma2 semaphore(%run_scoped3A : memref<!tpu.dma_semaphore, #tpu.memory_space<semaphore_mem>>) src(%arg11 : memref<512x64xf32, #tpu.memory_space<vmem>>) dst(%dma_wait3A_19 : memref<512x64xf32, #tpu.memory_space<hbm>>)
      tpu.yield
    }) : () -> ()
    return
  }
}

module attributes {stable_mosaic.version = 14 : i64} {
  func.func @_mlp_body(%arg0: i32, %arg1: memref<2048x64xf32, #tpu.memory_space<vmem>>, %arg2: memref<2048x64xf32, #tpu.memory_space<vmem>>, %arg3: memref<64x128xf32, #tpu.memory_space<vmem>>, %arg4: memref<64x128xf32, #tpu.memory_space<vmem>>, %arg5: memref<1x128xf32, #tpu.memory_space<vmem>>, %arg6: memref<128x1xf32, #tpu.memory_space<vmem>>, %arg7: memref<1x1xf32, #tpu.memory_space<vmem>>, %arg8: memref<2048x1xf32, #tpu.memory_space<vmem>>) attributes {dimension_semantics = [#tpu.dimension_semantics<arbitrary>], iteration_bounds = array<i64: 8>, scalar_prefetch = 0 : i64, scratch_operands = 0 : i64, tpu.core_type = #tpu.core_type<tc>, window_params = [{transform_indices = @transform_0, window_bounds = array<i64: 2048, 64>}, {transform_indices = @transform_1, window_bounds = array<i64: 2048, 64>}, {pipeline_mode = #tpu.pipeline_mode<synchronous>, transform_indices = @transform_2, window_bounds = array<i64: 64, 128>}, {pipeline_mode = #tpu.pipeline_mode<synchronous>, transform_indices = @transform_3, window_bounds = array<i64: 64, 128>}, {pipeline_mode = #tpu.pipeline_mode<synchronous>, transform_indices = @transform_4, window_bounds = array<i64: 1, 128>}, {pipeline_mode = #tpu.pipeline_mode<synchronous>, transform_indices = @transform_5, window_bounds = array<i64: 128, 1>}, {pipeline_mode = #tpu.pipeline_mode<synchronous>, transform_indices = @transform_6, window_bounds = array<i64: 1, 1>}, {transform_indices = @transform_7, window_bounds = array<i64: 2048, 1>}]} {
    %get3A = arith.constant 0 : index
    %get3A_0 = arith.constant 0 : index
    %get3A_1 = vector.load %arg1[%get3A, %get3A_0] : memref<2048x64xf32, #tpu.memory_space<vmem>>, vector<2048x64xf32>
    %get3A_2 = arith.constant 0 : index
    %get3A_3 = arith.constant 0 : index
    %get3A_4 = vector.load %arg3[%get3A_2, %get3A_3] : memref<64x128xf32, #tpu.memory_space<vmem>>, vector<64x128xf32>
    %dot_general3A = arith.constant dense<0.000000e+00> : vector<2048x128xf32>
    %dot_general3A_5 = tpu.matmul %get3A_1, %get3A_4, %dot_general3A {dimension_numbers = #tpu.dot_dimension_numbers<[1], [0], [0], [1], [0, 0, 1, 1], [], []>, transpose_lhs_hint = false} : vector<2048x64xf32>, vector<64x128xf32>, vector<2048x128xf32> -> vector<2048x128xf32>
    %get3A_6 = arith.constant 0 : index
    %get3A_7 = arith.constant 0 : index
    %get3A_8 = vector.load %arg2[%get3A_6, %get3A_7] : memref<2048x64xf32, #tpu.memory_space<vmem>>, vector<2048x64xf32>
    %get3A_9 = arith.constant 0 : index
    %get3A_10 = arith.constant 0 : index
    %get3A_11 = vector.load %arg4[%get3A_9, %get3A_10] : memref<64x128xf32, #tpu.memory_space<vmem>>, vector<64x128xf32>
    %dot_general3A_12 = arith.constant dense<0.000000e+00> : vector<2048x128xf32>
    %dot_general3A_13 = tpu.matmul %get3A_8, %get3A_11, %dot_general3A_12 {dimension_numbers = #tpu.dot_dimension_numbers<[1], [0], [0], [1], [0, 0, 1, 1], [], []>, transpose_lhs_hint = false} : vector<2048x64xf32>, vector<64x128xf32>, vector<2048x128xf32> -> vector<2048x128xf32>
    %add3A = arith.addf %dot_general3A_5, %dot_general3A_13 : vector<2048x128xf32>
    %get3A_14 = arith.constant 0 : index
    %get3A_15 = arith.constant 0 : index
    %get3A_16 = vector.load %arg5[%get3A_14, %get3A_15] : memref<1x128xf32, #tpu.memory_space<vmem>>, vector<1x128xf32>
    %add3A_17 = vector.broadcast %get3A_16 : vector<1x128xf32> to vector<2048x128xf32>
    %add3A_18 = arith.addf %add3A, %add3A_17 : vector<2048x128xf32>
    %max3A = arith.constant 0.000000e+00 : f32
    %max3A_19 = vector.broadcast %max3A : f32 to vector<2048x128xf32>
    %max3A_20 = arith.maximumf %add3A_18, %max3A_19 : vector<2048x128xf32>
    %get3A_21 = arith.constant 0 : index
    %get3A_22 = arith.constant 0 : index
    %get3A_23 = vector.load %arg6[%get3A_21, %get3A_22] : memref<128x1xf32, #tpu.memory_space<vmem>>, vector<128x1xf32>
    %dot_general3A_24 = arith.constant dense<0.000000e+00> : vector<2048x1xf32>
    %dot_general3A_25 = tpu.matmul %max3A_20, %get3A_23, %dot_general3A_24 {dimension_numbers = #tpu.dot_dimension_numbers<[1], [0], [0], [1], [0, 0, 1, 1], [], []>, transpose_lhs_hint = false} : vector<2048x128xf32>, vector<128x1xf32>, vector<2048x1xf32> -> vector<2048x1xf32>
    %get3A_26 = arith.constant 0 : index
    %get3A_27 = arith.constant 0 : index
    %get3A_28 = vector.load %arg7[%get3A_26, %get3A_27] : memref<1x1xf32, #tpu.memory_space<vmem>>, vector<1x1xf32>
    %add3A_29 = vector.broadcast %get3A_28 : vector<1x1xf32> to vector<2048x1xf32>
    %add3A_30 = arith.addf %dot_general3A_25, %add3A_29 : vector<2048x1xf32>
    %logistic3A = arith.negf %add3A_30 : vector<2048x1xf32>
    %logistic3A_31 = math.exp %logistic3A : vector<2048x1xf32>
    %logistic3A_32 = arith.constant 1.000000e+00 : f32
    %logistic3A_33 = vector.broadcast %logistic3A_32 : f32 to vector<2048x1xf32>
    %logistic3A_34 = arith.addf %logistic3A_33, %logistic3A_31 : vector<2048x1xf32>
    %logistic3A_35 = arith.divf %logistic3A_33, %logistic3A_34 : vector<2048x1xf32>
    %swap3A = arith.constant 0 : index
    %swap3A_36 = arith.constant 0 : index
    %swap3A_37 = vector.load %arg8[%swap3A, %swap3A_36] : memref<2048x1xf32, #tpu.memory_space<vmem>>, vector<2048x1xf32>
    tpu.vector_store %arg8[%swap3A, %swap3A_36], %logistic3A_35 {strides = array<i32>} : memref<2048x1xf32, #tpu.memory_space<vmem>>, vector<2048x1xf32>,
    return
  }
  func.func @transform_0(%arg0: i32) -> (i32, i32) {
    %c0_i32 = arith.constant 0 : i32
    %c0_i32_0 = arith.constant 0 : i32
    return %arg0, %c0_i32 : i32, i32
  }
  func.func @transform_1(%arg0: i32) -> (i32, i32) {
    %c0_i32 = arith.constant 0 : i32
    %c0_i32_0 = arith.constant 0 : i32
    return %arg0, %c0_i32 : i32, i32
  }
  func.func @transform_2(%arg0: i32) -> (i32, i32) {
    %c0_i32 = arith.constant 0 : i32
    %c0_i32_0 = arith.constant 0 : i32
    %c0_i32_1 = arith.constant 0 : i32
    return %c0_i32, %c0_i32_0 : i32, i32
  }
  func.func @transform_3(%arg0: i32) -> (i32, i32) {
    %c0_i32 = arith.constant 0 : i32
    %c0_i32_0 = arith.constant 0 : i32
    %c0_i32_1 = arith.constant 0 : i32
    return %c0_i32, %c0_i32_0 : i32, i32
  }
  func.func @transform_4(%arg0: i32) -> (i32, i32) {
    %c0_i32 = arith.constant 0 : i32
    %c0_i32_0 = arith.constant 0 : i32
    %c0_i32_1 = arith.constant 0 : i32
    return %c0_i32, %c0_i32_0 : i32, i32
  }
  func.func @transform_5(%arg0: i32) -> (i32, i32) {
    %c0_i32 = arith.constant 0 : i32
    %c0_i32_0 = arith.constant 0 : i32
    %c0_i32_1 = arith.constant 0 : i32
    return %c0_i32, %c0_i32_0 : i32, i32
  }
  func.func @transform_6(%arg0: i32) -> (i32, i32) {
    %c0_i32 = arith.constant 0 : i32
    %c0_i32_0 = arith.constant 0 : i32
    %c0_i32_1 = arith.constant 0 : i32
    return %c0_i32, %c0_i32_0 : i32, i32
  }
  func.func @transform_7(%arg0: i32) -> (i32, i32) {
    %c0_i32 = arith.constant 0 : i32
    %c0_i32_0 = arith.constant 0 : i32
    return %arg0, %c0_i32 : i32, i32
  }
}

</mosaic_0001>

<sc_bundles>
// kernel: kernel.4.cloned.1.call-start
scs
__scs_entry_jumppad:
0x0: {  	(pc) =	sbr.rel $0x88, $3  }
0x1: {  	(tag) =	ssettag $0x0;
	lr =	simm.s32 $0x1  }
0x2: {  	[smem:$0x3F99] =	sst lr;
	_ =	strace $0xD0000000  }
0x3: {  	_ = 	snop  }
0x4: {  	_ = 	snop  }
0x5: {  	_ = 	snop  }
0x6: {  	_ = 	snop  }
0x7: {  	_ = 	snop  }
__scs_overlays_trampoline_lowered:
0x8: {  	[smem:$0x3FA8] =	sst s0  }
0x9: {  	[smem:$0x3FA9] =	sst s1  }
0xa: {  	[smem:$0x3FAA] =	sst s2  }
0xb: {  	[smem:$0x3FAB] =	sst s3  }
0xc: {  	[smem:$0x3FAC] =	sst s4  }
0xd: {  	[smem:$0x3FAD] =	sst s5  }
0xe: {  	[smem:$0x3FAE] =	sst s6  }
0xf: {  	[smem:$0x3FAF] =	sst s7  }
0x10: {  	[smem:$0x3FB0] =	sst s8  }
0x11: {  	[smem:$0x3FB1] =	sst s9;
	s0 =	simm.s32 @!p0 $0x0  }
0x12: {  	s1 =	sld [smem:$0x3F97];
	s0 =	simm.s32 @p0 $0x1  }
0x13: {  	[smem:$0x3FB2] =	sst s0;
	s0 =	simm.s32 @!p1 $0x0  }
0x14: {  	s2 =	sld [smem:$0x3F96];
	s0 =	simm.s32 @p1 $0x1  }
0x15: {  	[smem:$0x3FB3] =	sst s0;
	s0 =	simm.s32 @!p2 $0x0  }
0x16: {  	s3 =	sld [smem:$0x3FDB];
	s0 =	simm.s32 @p2 $0x1  }
0x17: {  	s4 =	simm.s32 $0x1BF5;
	[smem:$0x3FB5] =	sst s0  }
0x18: {  	s0 =	sld [smem:$0x3F98];
	_ =	swait.ge [sflag:s4], $0x0  }
0x19: {  	s7 =	sld [smem:$0x3F99]  }
0x1a: {  	s8 =	sadd.s32 $0xFFFFE003, lr  }
0x1b: {  	s9 =	sadd.s32 $0xFFFFFEF7, lr;
	s5 =	simm.s32 $0xFFFFFFFF;
	p2 =	slt.u32 s8, $0xFFFFF086  }
0x1c: {  	p1 =	slt.u32 s9, $0xF7A;
	s5 =	simm.s32 @!p2 $0x0  }
0x1d: {  	s5 =	simm.s32 @p1 $0x1;
	p0 =	seq.s32 s7, s2  }
0x1e: {  	s7 =	smul.u32 @!p0 $0xF7A, s2;
	p2 =	seq.s32 @!p0 s5, $0x0  }
0x1f: {  	s9 =	smul.u32 $0xF7A, s1;
	s8 =	simm.s32 @!p0 $0x1BF5;
	p2 =	por !p2, p0  }
0x20: {  	[sflag:s8] =	ssyncset.s32 @!p0 $0xFFFFF086;
	s6 =	sadd.s32 @!p0 s3, s7;
	s7 =	simm.s32 @!p0 $0x108  }
0x21: {  	s3 =	sadd.s32 s3, s9;
	s6 =	sadd.s32 @!p0 $0x88, s6;
	s7 =	simm.s32 @p2 $0x1082  }
0x22: {  	[simem:s7], [sflag:s8] =	dma.local @!p0 [hbm:s6], $0xF7A  }
0x23: {  	s9 =	sor.u32 $0xD0000000, s2;
	s6 =	simm.s32 $0x108;
	_ =	swait.ge @!p0 [sflag:s8], $0x0  }
0x24: {  	s3 =	sadd.s32 $0x88, s3;
	s6 =	simm.s32 @!p1 $0x1082;
	[sflag:s4] =	ssyncset.s32 $0xFFFFF086  }
0x25: {  	[simem:s6], [sflag:s4] =	dma.local [hbm:s3], $0xF7A  }
0x26: {  	[smem:$0x3F99] =	sst s1;
	(tag) =	ssettag s2;
	_ =	strace s9  }
0x27: {  	s1 =	sld [smem:$0x3FA9]  }
0x28: {  	s2 =	sld [smem:$0x3FAA]  }
0x29: {  	s4 =	sld [smem:$0x3FAC]  }
0x2a: {  	p0 =	seq.s32 s5, $0x0;
	s5 =	sld [smem:$0x3FAD]  }
0x2b: {  	s6 =	sld [smem:$0x3FAE]  }
0x2c: {  	s7 =	sld [smem:$0x3FAF]  }
0x2d: {  	s3 =	simm.s32 $0x108;
	s8 =	sld [smem:$0x3FB0]  }
0x2e: {  	s3 =	simm.s32 @!p0 $0x1082;
	s9 =	sld [smem:$0x3FB1]  }
0x2f: {  	lr =	sadd.s32 s0, s3;
	s0 =	sld [smem:$0x3FA8]  }
0x30: {  	s3 =	sld [smem:$0x3FAB]  }
0x31: {  	[smem:$0x3FB4] =	sst s10  }
0x32: {  	s10 =	sld [smem:$0x3FB2];
	_ =	sdelay $0x3  }
0x33: {  	p0 =	seq.s32 s10, $0x1;
	s10 =	sld [smem:$0x3FB4];
	_ =	sdelay $0x3  }
0x34: {  	[smem:$0x3FB4] =	sst s10  }
0x35: {  	s10 =	sld [smem:$0x3FB3];
	_ =	sdelay $0x3  }
0x36: {  	p1 =	seq.s32 s10, $0x1;
	s10 =	sld [smem:$0x3FB4];
	_ =	sdelay $0x3  }
0x37: {  	[smem:$0x3FB4] =	sst s10  }
0x38: {  	s10 =	sld [smem:$0x3FB5]  }
0x39: {  	_ = 	snop;
	(pc) =	sbr.ind lr, $3  }
0x3a: {  	_ = 	snop  }
0x3b: {  	_ = 	snop  }
0x3c: {  	p2 =	seq.s32 s10, $0x1;
	s10 =	sld [smem:$0x3FB4]  }
0x3d: {  	_ =	shalt  }
0x3e: {  	_ =	shalt  }
0x3f: {  	_ =	shalt  }
0x40: {  	_ =	shalt  }
0x41: {  	_ =	shalt  }
0x42: {  	_ =	shalt  }
0x43: {  	_ =	shalt  }
0x44: {  	_ =	shalt  }
0x45: {  	_ =	shalt  }
0x46: {  	_ =	shalt  }
0x47: {  	_ =	shalt  }
0x48: {  	_ =	shalt  }
0x49: {  	_ =	shalt  }
0x4a: {  	_ =	shalt  }
0x4b: {  	_ =	shalt  }
0x4c: {  	_ =	shalt  }
0x4d: {  	_ =	shalt  }
0x4e: {  	_ =	shalt  }
0x4f: {  	_ =	shalt  }
0x50: {  	_ =	shalt  }
0x51: {  	_ =	shalt  }
0x52: {  	_ =	shalt  }
0x53: {  	_ =	shalt  }
0x54: {  	_ =	shalt  }
0x55: {  	_ =	shalt  }
0x56: {  	_ =	shalt  }
0x57: {  	_ =	shalt  }
0x58: {  	_ =	shalt  }
0x59: {  	_ =	shalt  }
0x5a: {  	_ =	shalt  }
0x5b: {  	_ =	shalt  }
0x5c: {  	_ =	shalt  }
0x5d: {  	_ =	shalt  }
0x5e: {  	_ =	shalt  }
0x5f: {  	_ =	shalt  }
0x60: {  	_ =	shalt  }
0x61: {  	_ =	shalt  }
0x62: {  	_ =	shalt  }
0x63: {  	_ =	shalt  }
0x64: {  	_ =	shalt  }
0x65: {  	_ =	shalt  }
0x66: {  	_ =	shalt  }
0x67: {  	_ =	shalt  }
0x68: {  	_ =	shalt  }
0x69: {  	_ =	shalt  }
0x6a: {  	_ =	shalt  }
0x6b: {  	_ =	shalt  }
0x6c: {  	_ =	shalt  }
0x6d: {  	_ =	shalt  }
0x6e: {  	_ =	shalt  }
0x6f: {  	_ =	shalt  }
0x70: {  	_ =	shalt  }
0x71: {  	_ =	shalt  }
0x72: {  	_ =	shalt  }
0x73: {  	_ =	shalt  }
0x74: {  	_ =	shalt  }
0x75: {  	_ =	shalt  }
0x76: {  	_ =	shalt  }
0x77: {  	_ =	shalt  }
0x78: {  	_ =	shalt  }
0x79: {  	_ =	shalt  }
0x7a: {  	_ =	shalt  }
0x7b: {  	_ =	shalt  }
0x7c: {  	_ =	shalt  }
0x7d: {  	_ =	shalt  }
0x7e: {  	_ =	shalt  }
0x7f: {  	_ =	shalt  }
0x80: {  	_ =	shalt  }
0x81: {  	_ =	shalt  }
0x82: {  	_ =	shalt  }
0x83: {  	_ =	shalt  }
0x84: {  	_ =	shalt  }
0x85: {  	_ =	shalt  }
0x86: {  	_ =	shalt  }
0x87: {  	_ =	shalt  }
.Lfunc_end0:
.L_simem_size_0:
called_computation_lowered:
.L_overlay_start_0:
0x88: {  	s2 =	sld [smem:$0x3FD9]  }
0x89: {  	s3 =	sld [smem:$0x3FFE];
	_ =	sdelay $0x1  }
0x8a: {  	s1 =	srdreg.scid  }
0x8b: {  	s0 =	sand.u32 $0x1, s1  }
0x8c: {  	s17 =	sshll.u32 s0, $0xA;
	s2 =	sadd.s32 s3, s2  }
0x8d: {  	s2 =	sadd.s32 s2, s17  }
0x8e: {  	[smem:$0x3FC0] =	sst s2  }
0x8f: {  	_ = 	snop  }
0x90: {  	s2 =	sld [smem:$0x3FC9]  }
0x91: {  	s18 =	sld [smem:$0x3FC8];
	(tm) =	ssettm $0x1  }
0x92: {  	s4 =	sld [smem:$0x3FFB];
	_ =	sdelay $0x3  }
0x93: {  	_ =	strace s4  }
0x94: {  	s4 =	sld [smem:$0x3FFC];
	_ =	sdelay $0x3  }
0x95: {  	_ =	strace s4  }
0x96: {  	s4 =	sld [smem:$0x3FFD];
	_ =	sdelay $0x3  }
0x97: {  	_ =	strace s4  }
0x98: {  	_ =	strace $0x8FFFFFFF  }
0x99: {  	s19 =	sld [smem:$0x3FDB];
	_ =	sdelay $0x1  }
0x9a: {  	s5 =	simm.s32 $_scs_section_size  }
0x9b: {  	s6 =	simm.s32 $_size__tile_overlayer_lowered;
	s7 =	simm.s32 $_tile_overlayer_lowered  }
0x9c: {  	s22 =	simm.s32 $0x1BFF;
	s21 =	sshll.u32 s7, $0x1;
	s4 =	sadd.s32 s5, s19  }
0x9d: {  	s8 =	simm.s32 $0x0;
	s20 =	sshll.u32 s6, $0x1;
	s6 =	sadd.s32 s21, s4  }
0x9e: {  	[timem:s8], [sflag:s22] =	dma.local [hbm:s6], s20  }
0x9f: {  	_ =	swait.ge [sflag:s22], s20  }
0xa0: {  	s5 =	ssub.s32 $0x0, s20;
	[sflag:s22] =	ssyncset.done $0x0  }
0xa1: {  	[sflag:s22] =	ssyncadd.s32 s5;
	_ =	sdelay $0x1  }
0xa2: {  	s23 =	simm.s32 $0x1B8B  }
0xa3: {  	_ =	swait.ge [sflag:s23], $0x1  }
0xa4: {  	[sflag:s23] =	ssyncset.done $0x0  }
0xa5: {  	s25 =	simm.s32 $0x1B8E;
	s24 =	sld [smem:$0x3FFE];
	[sflag:s23] =	ssyncadd.s32 $0xFFFFFFFF  }
0xa6: {  	s26 =	simm.s32 $execute0_lowered;
	[smem:$0x3FD2] =	sst s25  }
0xa7: {  	s6 =	sshll.u32 s26, $0x1;
	_ =	strace $0x80000046;
	[dreg:$0x1] =	wrdreg $0xFFFFFFFF  }
0xa8: {  	s28 =	simm.s32 $_size_execute0_lowered;
	s4 =	sadd.s32 s4, s6;
	[dreg:$0x0] =	wrdreg $0x0  }
0xa9: {  	s6 =	sshll.u32 s28, $0x1;
	[dreg:$0x2] =	wrdreg s4  }
0xaa: {  	[dreg:$0x3] =	wrdreg s6  }
0xab: {  	[dreg:$0x4] =	wrdreg $0xC0  }
0xac: {  	_ =	task [dreg:s8], $0x5FFFF  }
0xad: {  	[dreg:$0x1] =	wrdreg $0xFFFFFFFF  }
0xae: {  	[dreg:$0x0] =	wrdreg $0x60  }
0xaf: {  	[dreg:$0x2] =	wrdreg s2  }
0xb0: {  	[dreg:$0x3] =	wrdreg s18  }
0xb1: {  	[dreg:$0x4] =	wrdreg s24  }
0xb2: {  	[dreg:$0x5] =	wrdreg $0x9  }
0xb3: {  	_ =	task.clear_ibuf [dreg:s8], $0x6FFFF;
	_ =	strace $0x90000046  }
0xb4: {  	s29 =	simm.s32 $0x9;
	_ =	strace $0x80000048  }
0xb5: {  	_ =	swait.ge [sflag:s29], $0x1  }
0xb6: {  	[sflag:s29] =	ssyncadd.s32 $0xFFFFFFFF  }
0xb7: {  	_ =	strace $0x90000048  }
0xb8: {  	_ =	sfence  }
0xb9: {  	s30 =	sld [smem:$0x0];
	_ =	sdelay $0x2  }
0xba: {  	s31 =	sshll.u32 s1, $0xD;
	s1 =	sshrl.u32 s1, $0x2  }
0xbb: {  	s3 =	sand.u32 $0x4000, s31;
	s1 =	sadd.s32 s1, s30  }
0xbc: {  	s0 =	sor.u32 s3, s0;
	s1 =	sshll.u32 s1, $0x11  }
0xbd: {  	s0 =	sor.u32 s1, s0  }
0xbe: {  	s0 =	sadd.s32 $0x8F2B, s0  }
0xbf: {  	[sflag:s0] =	ssyncadd.remote.s32 $0x1  }
0xc0: {  	_ =	sfence.sel $0xFFFF  }
0xc1: {  	[dreg:$0x0] =	wrdreg $0xFFFFFFFF;
	(pc) =	sbr.abs _section_cstart, $3  }
0xc2: {  	[dreg:$0x1] =	wrdreg $0xFFFFFFFF  }
0xc3: {  	_ =	task.clear_ibuf [dreg:s8], $0x2FFFF;
	_ =	strace $0x9FFFFFFF  }
0xc4: {  	(tm) =	ssettm $0x7FFFFFFF  }
0xc5: {  	_ =	shalt  }
tec
execute0_lowered:
.L_overlay_start_1:
0x0: {  	(tag) =	ssettag $0x1  }
0x1: {  	s0 =	rddreg [dreg:$0x0]  }
0x2: {  	s3 =	rddreg [dreg:$0x1];
	s2 =	stileid.u32  }
0x3: {  	s6 =	rddreg [dreg:$0x2];
	s4 =	sshll.u32 s2, $0xA;
	s2 =	simm.s32 $0x0  }
0x4: {  	s9 =	simm.s32 $0xC00;
	[smem:$0x7FF] =	sst s2  }
0x5: {  	s10 =	simm.s32 $0x220;
	_ =	strace $0x80000047;
	[dreg:$0x8] =	wrdreg s9  }
0x6: {  	s11 =	simm.s32 $0x8C00;
	[dreg:$0x9] =	wrdreg s10  }
0x7: {  	s12 =	simm.s32 $0x40;
	[dreg:$0xa] =	wrdreg s11  }
0x8: {  	s13 =	simm.s32 $0x1400;
	[dreg:$0xb] =	wrdreg s12  }
0x9: {  	s14 =	simm.s32 $0x240;
	[dreg:$0xc] =	wrdreg s13  }
0xa: {  	s15 =	simm.s32 $0x9400;
	[dreg:$0xd] =	wrdreg s14  }
0xb: {  	s16 =	simm.s32 $0x60;
	[dreg:$0xe] =	wrdreg s15  }
0xc: {  	s17 =	simm.s32 $0x1C00;
	[dreg:$0xf] =	wrdreg s16  }
0xd: {  	s18 =	simm.s32 $0x260;
	[dreg:$0x10] =	wrdreg s17  }
0xe: {  	s19 =	simm.s32 $0x9C00;
	[dreg:$0x11] =	wrdreg s18  }
0xf: {  	s20 =	simm.s32 $0x80;
	[dreg:$0x12] =	wrdreg s19  }
0x10: {  	s21 =	simm.s32 $0x2400;
	[dreg:$0x13] =	wrdreg s20  }
0x11: {  	s22 =	simm.s32 $0x280;
	[dreg:$0x14] =	wrdreg s21  }
0x12: {  	s23 =	simm.s32 $0xA400;
	[dreg:$0x15] =	wrdreg s22  }
0x13: {  	s24 =	simm.s32 $0xA0;
	[dreg:$0x16] =	wrdreg s23  }
0x14: {  	s25 =	simm.s32 $0x2C00;
	[dreg:$0x17] =	wrdreg s24  }
0x15: {  	s26 =	simm.s32 $0x2A0;
	[dreg:$0x18] =	wrdreg s25  }
0x16: {  	s28 =	simm.s32 $0xAC00;
	[dreg:$0x19] =	wrdreg s26  }
0x17: {  	s29 =	simm.s32 $0xC0;
	[dreg:$0x1a] =	wrdreg s28  }
0x18: {  	s30 =	simm.s32 $0x3400;
	[dreg:$0x1b] =	wrdreg s29  }
0x19: {  	s31 =	simm.s32 $0x2C0;
	[dreg:$0x1c] =	wrdreg s30  }
0x1a: {  	[dreg:$0x1d] =	wrdreg s31;
	s9 =	simm.s32 $0x100  }
0x1b: {  	s10 =	simm.s32 $0x4400;
	[smem:$0x7F7] =	sst s9  }
0x1c: {  	s11 =	simm.s32 $0x300;
	[smem:$0x7F3] =	sst s10  }
0x1d: {  	s12 =	simm.s32 $0xC400;
	[smem:$0x7F8] =	sst s11  }
0x1e: {  	s13 =	simm.s32 $0x120;
	[smem:$0x7F2] =	sst s12  }
0x1f: {  	s14 =	simm.s32 $0x4C00;
	[smem:$0x7F9] =	sst s13  }
0x20: {  	s15 =	simm.s32 $0x320;
	[smem:$0x7F1] =	sst s14  }
0x21: {  	s16 =	simm.s32 $0xCC00;
	[smem:$0x7FA] =	sst s15  }
0x22: {  	s1 =	srdreg.scid;
	s17 =	simm.s32 $0x140;
	[smem:$0x7F0] =	sst s16  }
0x23: {  	s1 =	sand.u32 $0x1, s1;
	s18 =	simm.s32 $0x5400;
	[smem:$0x7FB] =	sst s17  }
0x24: {  	s5 =	sshll.u32 s1, $0x9;
	s19 =	simm.s32 $0x340;
	[smem:$0x7EF] =	sst s18  }
0x25: {  	s4 =	sor.u32 s5, s4;
	s20 =	simm.s32 $0xD400;
	[smem:$0x7FC] =	sst s19  }
0x26: {  	s22 =	simm.s32 $0x160;
	s5 =	sshrl.u32 s4, $0x3;
	[smem:$0x7EE] =	sst s20  }
0x27: {  	[smem:$0x7FD] =	sst s22;
	s0 =	sadd.s32 s0, s5  }
0x28: {  	s4 =	sshll.u32 s4, $0x3;
	s5 =	sadd.s32 s3, s5;
	[dreg:$0x4] =	wrdreg s0  }
0x29: {  	s4 =	sadd.s32 s4, s6;
	s3 =	simm.s32 $0xB400;
	[dreg:$0x5] =	wrdreg s5  }
0x2a: {  	s7 =	sadd.s32 $0x21200, s4;
	[dreg:$0x1e] =	wrdreg s3  }
0x2b: {  	s8 =	sadd.s32 $0x1200, s4;
	[dreg:$0x6] =	wrdreg s7  }
0x2c: {  	s4 =	simm.s32 $0xE0;
	[dreg:$0x7] =	wrdreg s8  }
0x2d: {  	s5 =	simm.s32 $0x3C00;
	[dreg:$0x1f] =	wrdreg s4  }
0x2e: {  	[smem:$0x7F5] =	sst s5  }
0x2f: {  	s7 =	simm.s32 $0x2E0;
	s21 =	rddreg [dreg:$0x4]  }
0x30: {  	s8 =	simm.s32 $0xBC00;
	[smem:$0x7F6] =	sst s7  }
0x31: {  	s3 =	simm.s32 $0x3;
	[smem:$0x7F4] =	sst s8  }
0x32: {  	[tilespmem:s2], [sflag:$0x3] =	stream.linear.gather [hbm4b:s21+s2], $0x200, $0x38;
	[tilespmem:$0x10400] =	vst v63  }
0x33: {  	_ =	swait.ge [sflag:s3], $0x200  }
0x34: {  	[sflag:s3] =	ssyncset.done $0x0  }
0x35: {  	s24 =	simm.s32 $0x200;
	s23 =	rddreg [dreg:$0x5];
	[sflag:s3] =	ssyncadd.s32 $0xFFFFFE00  }
0x36: {  	[tilespmem:s24], [sflag:$0x3] =	stream.linear.gather [hbm4b:s23+s2], $0x200, $0x38;
	[tilespmem:$0x10400] =	vst v63  }
0x37: {  	_ =	swait.ge [sflag:s3], $0x200  }
0x38: {  	s0 =	sld [smem:$0x7EE]  }
0x39: {  	s10 =	sld [smem:$0x7EF]  }
0x3a: {  	s11 =	sld [smem:$0x7F0]  }
0x3b: {  	s12 =	sld [smem:$0x7F1]  }
0x3c: {  	s13 =	sld [smem:$0x7F2]  }
0x3d: {  	s14 =	sld [smem:$0x7F3]  }
0x3e: {  	s15 =	sld [smem:$0x7F4]  }
0x3f: {  	s16 =	sld [smem:$0x7F5]  }
0x40: {  	s17 =	rddreg [dreg:$0x1e]  }
0x41: {  	s18 =	rddreg [dreg:$0x1c]  }
0x42: {  	s19 =	rddreg [dreg:$0x1a]  }
0x43: {  	s20 =	rddreg [dreg:$0x8]  }
0x44: {  	s21 =	rddreg [dreg:$0xa]  }
0x45: {  	s22 =	rddreg [dreg:$0xc]  }
0x46: {  	s23 =	rddreg [dreg:$0x9]  }
0x47: {  	s25 =	rddreg [dreg:$0xb]  }
0x48: {  	s5 =	simm.s32 $0x400;
	s26 =	rddreg [dreg:$0xe]  }
0x49: {  	s7 =	sadd.s32 $0xF43600, s6;
	[sflag:s3] =	ssyncset.done $0x0;
	s28 =	rddreg [dreg:$0xd]  }
0x4a: {  	s8 =	simm.s32 $0x20;
	s29 =	rddreg [dreg:$0x10];
	[sflag:s3] =	ssyncadd.s32 $0xFFFFFE00  }
0x4b: {  	[tilespmem:s5], [sflag:$0x1] =	stream.indirect.gather [hbm4b:s7+s8], $0x40, s2, s8, $0xb8;
	[tilespmem:$0x10400] =	vst v63  }
0x4c: {  	s9 =	sadd.s32 $0x187C00, s6;
	s6 =	simm.s32 $0x8400;
	s30 =	rddreg [dreg:$0xf]  }
0x4d: {  	[tilespmem:s6], [sflag:$0x2] =	stream.indirect.gather [hbm4b:s9+s8], $0x40, s24, s8, $0xb8;
	[tilespmem:$0x10400] =	vst v63  }
0x4e: {  	s31 =	rddreg [dreg:$0x12]  }
0x4f: {  	[tilespmem:s20], [sflag:$0x1] =	stream.indirect.gather [hbm4b:s7+s8], $0x40, s8, s8, $0xb8;
	[tilespmem:$0x10400] =	vst v63  }
0x50: {  	s4 =	rddreg [dreg:$0x11]  }
0x51: {  	[tilespmem:s21], [sflag:$0x2] =	stream.indirect.gather [hbm4b:s9+s8], $0x40, s23, s8, $0xb8;
	[tilespmem:$0x10400] =	vst v63  }
0x52: {  	s24 =	rddreg [dreg:$0x14]  }
0x53: {  	[tilespmem:s22], [sflag:$0x1] =	stream.indirect.gather [hbm4b:s7+s8], $0x40, s25, s8, $0xb8;
	[tilespmem:$0x10400] =	vst v63  }
0x54: {  	s23 =	rddreg [dreg:$0x1f]  }
0x55: {  	[tilespmem:s26], [sflag:$0x2] =	stream.indirect.gather [hbm4b:s9+s8], $0x40, s28, s8, $0xb8;
	[tilespmem:$0x10400] =	vst v63  }
0x56: {  	s25 =	rddreg [dreg:$0x13]  }
0x57: {  	[tilespmem:s29], [sflag:$0x1] =	stream.indirect.gather [hbm4b:s7+s8], $0x40, s30, s8, $0xb8;
	[tilespmem:$0x10400] =	vst v63  }
0x58: {  	s26 =	rddreg [dreg:$0x16]  }
0x59: {  	[tilespmem:s31], [sflag:$0x2] =	stream.indirect.gather [hbm4b:s9+s8], $0x40, s4, s8, $0xb8;
	[tilespmem:$0x10400] =	vst v63  }
0x5a: {  	s28 =	rddreg [dreg:$0x15]  }
0x5b: {  	[tilespmem:s24], [sflag:$0x1] =	stream.indirect.gather [hbm4b:s7+s8], $0x40, s25, s8, $0xb8;
	[tilespmem:$0x10400] =	vst v63  }
0x5c: {  	s29 =	rddreg [dreg:$0x18]  }
0x5d: {  	[tilespmem:s26], [sflag:$0x2] =	stream.indirect.gather [hbm4b:s9+s8], $0x40, s28, s8, $0xb8;
	[tilespmem:$0x10400] =	vst v63  }
0x5e: {  	s30 =	rddreg [dreg:$0x17]  }
0x5f: {  	[tilespmem:s29], [sflag:$0x1] =	stream.indirect.gather [hbm4b:s7+s8], $0x40, s30, s8, $0xb8;
	[tilespmem:$0x10400] =	vst v63  }
0x60: {  	s31 =	rddreg [dreg:$0x19]  }
0x61: {  	[tilespmem:s19], [sflag:$0x2] =	stream.indirect.gather [hbm4b:s9+s8], $0x40, s31, s8, $0xb8;
	[tilespmem:$0x10400] =	vst v63  }
0x62: {  	s4 =	rddreg [dreg:$0x1b]  }
0x63: {  	[tilespmem:s18], [sflag:$0x1] =	stream.indirect.gather [hbm4b:s7+s8], $0x40, s4, s8, $0xb8;
	[tilespmem:$0x10400] =	vst v63  }
0x64: {  	s22 =	rddreg [dreg:$0x1d]  }
0x65: {  	[tilespmem:s17], [sflag:$0x2] =	stream.indirect.gather [hbm4b:s9+s8], $0x40, s22, s8, $0xb8;
	[tilespmem:$0x10400] =	vst v63  }
0x66: {  	s24 =	sld [smem:$0x7F6]  }
0x67: {  	[tilespmem:s16], [sflag:$0x1] =	stream.indirect.gather [hbm4b:s7+s8], $0x40, s23, s8, $0xb8;
	[tilespmem:$0x10400] =	vst v63  }
0x68: {  	s25 =	sld [smem:$0x7F7]  }
0x69: {  	[tilespmem:s15], [sflag:$0x2] =	stream.indirect.gather [hbm4b:s9+s8], $0x40, s24, s8, $0xb8;
	[tilespmem:$0x10400] =	vst v63  }
0x6a: {  	s26 =	sld [smem:$0x7F8]  }
0x6b: {  	[tilespmem:s14], [sflag:$0x1] =	stream.indirect.gather [hbm4b:s7+s8], $0x40, s25, s8, $0xb8;
	[tilespmem:$0x10400] =	vst v63  }
0x6c: {  	s28 =	sld [smem:$0x7F9]  }
0x6d: {  	[tilespmem:s13], [sflag:$0x2] =	stream.indirect.gather [hbm4b:s9+s8], $0x40, s26, s8, $0xb8;
	[tilespmem:$0x10400] =	vst v63  }
0x6e: {  	s29 =	sld [smem:$0x7FA]  }
0x6f: {  	[tilespmem:s12], [sflag:$0x1] =	stream.indirect.gather [hbm4b:s7+s8], $0x40, s28, s8, $0xb8;
	[tilespmem:$0x10400] =	vst v63  }
0x70: {  	s30 =	sld [smem:$0x7FB]  }
0x71: {  	[tilespmem:s11], [sflag:$0x2] =	stream.indirect.gather [hbm4b:s9+s8], $0x40, s29, s8, $0xb8;
	[tilespmem:$0x10400] =	vst v63  }
0x72: {  	s31 =	sld [smem:$0x7FC]  }
0x73: {  	[tilespmem:s10], [sflag:$0x1] =	stream.indirect.gather [hbm4b:s7+s8], $0x40, s30, s8, $0xb8;
	[tilespmem:$0x10400] =	vst v63  }
0x74: {  	s4 =	sld [smem:$0x7FD]  }
0x75: {  	[tilespmem:s0], [sflag:$0x2] =	stream.indirect.gather [hbm4b:s9+s8], $0x40, s31, s8, $0xb8;
	[tilespmem:$0x10400] =	vst v63  }
0x76: {  	s11 =	simm.s32 $0x5C00  }
0x77: {  	[tilespmem:s11], [sflag:$0x1] =	stream.indirect.gather [hbm4b:s7+s8], $0x40, s4, s8, $0xb8;
	[tilespmem:$0x10400] =	vst v63  }
0x78: {  	s13 =	simm.s32 $0xDC00;
	s12 =	simm.s32 $0x360  }
0x79: {  	[tilespmem:s13], [sflag:$0x2] =	stream.indirect.gather [hbm4b:s9+s8], $0x40, s12, s8, $0xb8;
	[tilespmem:$0x10400] =	vst v63  }
0x7a: {  	s15 =	simm.s32 $0x6400;
	s14 =	simm.s32 $0x180  }
0x7b: {  	[tilespmem:s15], [sflag:$0x1] =	stream.indirect.gather [hbm4b:s7+s8], $0x40, s14, s8, $0xb8;
	[tilespmem:$0x10400] =	vst v63  }
0x7c: {  	s17 =	simm.s32 $0xE400;
	s16 =	simm.s32 $0x380  }
0x7d: {  	[tilespmem:s17], [sflag:$0x2] =	stream.indirect.gather [hbm4b:s9+s8], $0x40, s16, s8, $0xb8;
	[tilespmem:$0x10400] =	vst v63  }
0x7e: {  	s19 =	simm.s32 $0x6C00;
	s18 =	simm.s32 $0x1A0  }
0x7f: {  	[tilespmem:s19], [sflag:$0x1] =	stream.indirect.gather [hbm4b:s7+s8], $0x40, s18, s8, $0xb8;
	[tilespmem:$0x10400] =	vst v63  }
0x80: {  	s20 =	simm.s32 $0x3A0;
	s21 =	simm.s32 $0xEC00  }
0x81: {  	[tilespmem:s21], [sflag:$0x2] =	stream.indirect.gather [hbm4b:s9+s8], $0x40, s20, s8, $0xb8;
	[tilespmem:$0x10400] =	vst v63  }
0x82: {  	s22 =	simm.s32 $0x1C0;
	s23 =	simm.s32 $0x7400  }
0x83: {  	[tilespmem:s23], [sflag:$0x1] =	stream.indirect.gather [hbm4b:s7+s8], $0x40, s22, s8, $0xb8;
	[tilespmem:$0x10400] =	vst v63  }
0x84: {  	s24 =	simm.s32 $0x3C0;
	s25 =	simm.s32 $0xF400  }
0x85: {  	[tilespmem:s25], [sflag:$0x2] =	stream.indirect.gather [hbm4b:s9+s8], $0x40, s24, s8, $0xb8;
	[tilespmem:$0x10400] =	vst v63  }
0x86: {  	s26 =	simm.s32 $0x1E0;
	s28 =	simm.s32 $0x7C00  }
0x87: {  	[tilespmem:s28], [sflag:$0x1] =	stream.indirect.gather [hbm4b:s7+s8], $0x40, s26, s8, $0xb8;
	[tilespmem:$0x10400] =	vst v63  }
0x88: {  	s29 =	simm.s32 $0x3E0;
	s30 =	simm.s32 $0xFC00;
	s25 =	simm.s32 $0x1  }
0x89: {  	[tilespmem:s30], [sflag:$0x2] =	stream.indirect.gather [hbm4b:s9+s8], $0x40, s29, s8, $0xb8;
	[tilespmem:$0x10400] =	vst v63  }
0x8a: {  	_ =	swait.ge [sflag:s25], $0x800  }
0x8b: {  	[sflag:s25] =	ssyncset.done $0x0  }
0x8c: {  	s26 =	simm.s32 $0x2;
	[sflag:s25] =	ssyncadd.s32 $0xFFFFF800  }
0x8d: {  	_ =	swait.ge [sflag:s26], $0x800  }
0x8e: {  	[sflag:s26] =	ssyncset.done $0x0  }
0x8f: {  	[sflag:s26] =	ssyncadd.s32 $0xFFFFF800  }
0x90: {  	_ =	swait.ge [sflag:s25], $0x800  }
0x91: {  	[sflag:s25] =	ssyncset.done $0x0  }
0x92: {  	[sflag:s25] =	ssyncadd.s32 $0xFFFFF800  }
0x93: {  	_ =	swait.ge [sflag:s26], $0x800  }
0x94: {  	[sflag:s26] =	ssyncset.done $0x0  }
0x95: {  	[sflag:s26] =	ssyncadd.s32 $0xFFFFF800  }
0x96: {  	_ =	swait.ge [sflag:s25], $0x800  }
0x97: {  	[sflag:s25] =	ssyncset.done $0x0  }
0x98: {  	[sflag:s25] =	ssyncadd.s32 $0xFFFFF800  }
0x99: {  	_ =	swait.ge [sflag:s26], $0x800  }
0x9a: {  	[sflag:s26] =	ssyncset.done $0x0  }
0x9b: {  	[sflag:s26] =	ssyncadd.s32 $0xFFFFF800  }
0x9c: {  	_ =	swait.ge [sflag:s25], $0x800  }
0x9d: {  	[sflag:s25] =	ssyncset.done $0x0  }
0x9e: {  	[sflag:s25] =	ssyncadd.s32 $0xFFFFF800  }
0x9f: {  	_ =	swait.ge [sflag:s26], $0x800  }
0xa0: {  	[sflag:s26] =	ssyncset.done $0x0  }
0xa1: {  	[sflag:s26] =	ssyncadd.s32 $0xFFFFF800  }
0xa2: {  	_ =	swait.ge [sflag:s25], $0x800  }
0xa3: {  	[sflag:s25] =	ssyncset.done $0x0  }
0xa4: {  	[sflag:s25] =	ssyncadd.s32 $0xFFFFF800  }
0xa5: {  	_ =	swait.ge [sflag:s26], $0x800  }
0xa6: {  	[sflag:s26] =	ssyncset.done $0x0  }
0xa7: {  	[sflag:s26] =	ssyncadd.s32 $0xFFFFF800  }
0xa8: {  	_ =	swait.ge [sflag:s25], $0x800  }
0xa9: {  	[sflag:s25] =	ssyncset.done $0x0  }
0xaa: {  	[sflag:s25] =	ssyncadd.s32 $0xFFFFF800  }
0xab: {  	_ =	swait.ge [sflag:s26], $0x800  }
0xac: {  	[sflag:s26] =	ssyncset.done $0x0  }
0xad: {  	[sflag:s26] =	ssyncadd.s32 $0xFFFFF800  }
0xae: {  	_ =	swait.ge [sflag:s25], $0x800  }
0xaf: {  	[sflag:s25] =	ssyncset.done $0x0  }
0xb0: {  	[sflag:s25] =	ssyncadd.s32 $0xFFFFF800  }
0xb1: {  	_ =	swait.ge [sflag:s26], $0x800  }
0xb2: {  	[sflag:s26] =	ssyncset.done $0x0  }
0xb3: {  	[sflag:s26] =	ssyncadd.s32 $0xFFFFF800  }
0xb4: {  	_ =	swait.ge [sflag:s25], $0x800  }
0xb5: {  	[sflag:s25] =	ssyncset.done $0x0  }
0xb6: {  	[sflag:s25] =	ssyncadd.s32 $0xFFFFF800  }
0xb7: {  	_ =	swait.ge [sflag:s26], $0x800  }
0xb8: {  	[sflag:s26] =	ssyncset.done $0x0  }
0xb9: {  	[sflag:s26] =	ssyncadd.s32 $0xFFFFF800  }
0xba: {  	_ =	swait.ge [sflag:s25], $0x800  }
0xbb: {  	[sflag:s25] =	ssyncset.done $0x0  }
0xbc: {  	[sflag:s25] =	ssyncadd.s32 $0xFFFFF800  }
0xbd: {  	_ =	swait.ge [sflag:s26], $0x800  }
0xbe: {  	[sflag:s26] =	ssyncset.done $0x0  }
0xbf: {  	[sflag:s26] =	ssyncadd.s32 $0xFFFFF800  }
0xc0: {  	_ =	swait.ge [sflag:s25], $0x800  }
0xc1: {  	[sflag:s25] =	ssyncset.done $0x0  }
0xc2: {  	[sflag:s25] =	ssyncadd.s32 $0xFFFFF800  }
0xc3: {  	_ =	swait.ge [sflag:s26], $0x800  }
0xc4: {  	[sflag:s26] =	ssyncset.done $0x0  }
0xc5: {  	[sflag:s26] =	ssyncadd.s32 $0xFFFFF800  }
0xc6: {  	_ =	swait.ge [sflag:s25], $0x800  }
0xc7: {  	[sflag:s25] =	ssyncset.done $0x0  }
0xc8: {  	[sflag:s25] =	ssyncadd.s32 $0xFFFFF800  }
0xc9: {  	_ =	swait.ge [sflag:s26], $0x800  }
0xca: {  	[sflag:s26] =	ssyncset.done $0x0  }
0xcb: {  	[sflag:s26] =	ssyncadd.s32 $0xFFFFF800  }
0xcc: {  	_ =	swait.ge [sflag:s25], $0x800  }
0xcd: {  	[sflag:s25] =	ssyncset.done $0x0  }
0xce: {  	[sflag:s25] =	ssyncadd.s32 $0xFFFFF800  }
0xcf: {  	_ =	swait.ge [sflag:s26], $0x800  }
0xd0: {  	[sflag:s26] =	ssyncset.done $0x0  }
0xd1: {  	[sflag:s26] =	ssyncadd.s32 $0xFFFFF800  }
0xd2: {  	_ =	swait.ge [sflag:s25], $0x800  }
0xd3: {  	[sflag:s25] =	ssyncset.done $0x0  }
0xd4: {  	[sflag:s25] =	ssyncadd.s32 $0xFFFFF800  }
0xd5: {  	_ =	swait.ge [sflag:s26], $0x800  }
0xd6: {  	[sflag:s26] =	ssyncset.done $0x0  }
0xd7: {  	s31 =	ssub.s32 $0x2, s1;
	[sflag:s26] =	ssyncadd.s32 $0xFFFFF800  }
0xd8: {  	s1 =	sshrl.u32 s31, $0x1;
	_ =	swait.ge [sflag:s25], $0x800  }
0xd9: {  	s0 =	ssub.s32 s31, s1;
	[sflag:s25] =	ssyncset.done $0x0  }
0xda: {  	s0 =	smax.u32 s0, $0x1;
	[sflag:s25] =	ssyncadd.s32 $0xFFFFF800  }
0xdb: {  	p0 =	sne.s32 s0, $0x1;
	_ =	swait.ge [sflag:s26], $0x800  }
.Ltmp0:
0xdc: {  	[sflag:s26] =	ssyncset.done $0x0;
	(pc) =	sbr.rel @!p0 .LBB2_2-.Ltmp0, $4  }
0xdd: {  	[sflag:s26] =	ssyncadd.s32 $0xFFFFF800  }
0xde: {  	_ =	swait.ge [sflag:s25], $0x800  }
0xdf: {  	[sflag:s25] =	ssyncset.done $0x0  }
0xe0: {  	s1 =	sadd.s32 $0xFFFFFFFF, s0;
	[sflag:s25] =	ssyncadd.s32 $0xFFFFF800  }
.LBB2_1:
0xe1: {  	_ =	swait.ge [sflag:s26], $0x800  }
0xe2: {  	[sflag:s26] =	ssyncset.done $0x0  }
0xe3: {  	[sflag:s26] =	ssyncadd.s32 $0xFFFFF800  }
0xe4: {  	_ =	swait.ge [sflag:s25], $0x800  }
0xe5: {  	[sflag:s25] =	ssyncset.done $0x0  }
0xe6: {  	[sflag:s25] =	ssyncadd.s32 $0xFFFFF800  }
0xe7: {  	_ =	swait.ge [sflag:s26], $0x800  }
0xe8: {  	[sflag:s26] =	ssyncset.done $0x0  }
0xe9: {  	s0 =	rddreg [dreg:$0x6];
	[sflag:s26] =	ssyncadd.s32 $0xFFFFF800  }
0xea: {  	[hbm4b:s0+s2] =	stream.linear.scatter [tilespmem:s5], [sflag:$0x3], $0x8000, $0x38;
	[tilespmem:$0x10400] =	vst v63  }
0xeb: {  	_ =	swait.ge [sflag:s3], $0x8000  }
0xec: {  	[sflag:s3] =	ssyncset.done $0x0  }
0xed: {  	s23 =	rddreg [dreg:$0x7];
	[sflag:s3] =	ssyncadd.s32 $0xFFFF8000  }
0xee: {  	[hbm4b:s23+s2] =	stream.linear.scatter [tilespmem:s6], [sflag:$0x3], $0x8000, $0x38;
	[tilespmem:$0x10400] =	vst v63  }
0xef: {  	_ =	swait.ge [sflag:s3], $0x8000  }
0xf0: {  	[sflag:s3] =	ssyncset.done $0x0  }
0xf1: {  	s24 =	rddreg [dreg:$0x4];
	[sflag:s3] =	ssyncadd.s32 $0xFFFF8000  }
0xf2: {  	[tilespmem:s2], [sflag:$0x3] =	stream.linear.gather [hbm4b:s24+s2], $0x200, $0x38;
	[tilespmem:$0x10400] =	vst v63  }
0xf3: {  	_ =	swait.ge [sflag:s3], $0x200  }
0xf4: {  	[sflag:s3] =	ssyncset.done $0x0  }
0xf5: {  	s4 =	simm.s32 $0x200;
	s28 =	rddreg [dreg:$0x5];
	[sflag:s3] =	ssyncadd.s32 $0xFFFFFE00  }
0xf6: {  	[tilespmem:s4], [sflag:$0x3] =	stream.linear.gather [hbm4b:s28+s2], $0x200, $0x38;
	[tilespmem:$0x10400] =	vst v63  }
0xf7: {  	_ =	swait.ge [sflag:s3], $0x200  }
0xf8: {  	s0 =	sld [smem:$0x7EE]  }
0xf9: {  	s10 =	sld [smem:$0x7EF]  }
0xfa: {  	s11 =	sld [smem:$0x7F0]  }
0xfb: {  	s12 =	sld [smem:$0x7F1]  }
0xfc: {  	s13 =	sld [smem:$0x7F2]  }
0xfd: {  	s14 =	sld [smem:$0x7F3]  }
0xfe: {  	s15 =	sld [smem:$0x7F4]  }
0xff: {  	s16 =	sld [smem:$0x7F5]  }
0x100: {  	s17 =	rddreg [dreg:$0x1e]  }
0x101: {  	s18 =	rddreg [dreg:$0x1c]  }
0x102: {  	s19 =	rddreg [dreg:$0x1a]  }
0x103: {  	s20 =	rddreg [dreg:$0x18]  }
0x104: {  	s21 =	rddreg [dreg:$0x16]  }
0x105: {  	s22 =	rddreg [dreg:$0x14]  }
0x106: {  	s23 =	rddreg [dreg:$0x12]  }
0x107: {  	s24 =	rddreg [dreg:$0x10]  }
0x108: {  	s28 =	rddreg [dreg:$0x8]  }
0x109: {  	[sflag:s3] =	ssyncset.done $0x0;
	s29 =	rddreg [dreg:$0xa]  }
0x10a: {  	s30 =	rddreg [dreg:$0xc];
	[sflag:s3] =	ssyncadd.s32 $0xFFFFFE00  }
0x10b: {  	[tilespmem:s5], [sflag:$0x1] =	stream.indirect.gather [hbm4b:s7+s8], $0x40, s2, s8, $0xb8;
	[tilespmem:$0x10400] =	vst v63  }
0x10c: {  	s31 =	rddreg [dreg:$0xe]  }
0x10d: {  	[tilespmem:s6], [sflag:$0x2] =	stream.indirect.gather [hbm4b:s9+s8], $0x40, s4, s8, $0xb8;
	[tilespmem:$0x10400] =	vst v63  }
0x10e: {  	s4 =	rddreg [dreg:$0x9]  }
0x10f: {  	[tilespmem:s28], [sflag:$0x1] =	stream.indirect.gather [hbm4b:s7+s8], $0x40, s8, s8, $0xb8;
	[tilespmem:$0x10400] =	vst v63  }
0x110: {  	s28 =	rddreg [dreg:$0xb]  }
0x111: {  	[tilespmem:s29], [sflag:$0x2] =	stream.indirect.gather [hbm4b:s9+s8], $0x40, s4, s8, $0xb8;
	[tilespmem:$0x10400] =	vst v63  }
0x112: {  	s4 =	rddreg [dreg:$0xd]  }
0x113: {  	[tilespmem:s30], [sflag:$0x1] =	stream.indirect.gather [hbm4b:s7+s8], $0x40, s28, s8, $0xb8;
	[tilespmem:$0x10400] =	vst v63  }
0x114: {  	s29 =	rddreg [dreg:$0xf]  }
0x115: {  	[tilespmem:s31], [sflag:$0x2] =	stream.indirect.gather [hbm4b:s9+s8], $0x40, s4, s8, $0xb8;
	[tilespmem:$0x10400] =	vst v63  }
0x116: {  	s30 =	rddreg [dreg:$0x11]  }
0x117: {  	[tilespmem:s24], [sflag:$0x1] =	stream.indirect.gather [hbm4b:s7+s8], $0x40, s29, s8, $0xb8;
	[tilespmem:$0x10400] =	vst v63  }
0x118: {  	s28 =	rddreg [dreg:$0x15]  }
0x119: {  	[tilespmem:s23], [sflag:$0x2] =	stream.indirect.gather [hbm4b:s9+s8], $0x40, s30, s8, $0xb8;
	[tilespmem:$0x10400] =	vst v63  }
0x11a: {  	s31 =	rddreg [dreg:$0x13]  }
0x11b: {  	[tilespmem:s22], [sflag:$0x1] =	stream.indirect.gather [hbm4b:s7+s8], $0x40, s31, s8, $0xb8;
	[tilespmem:$0x10400] =	vst v63  }
0x11c: {  	s29 =	rddreg [dreg:$0x17]  }
0x11d: {  	[tilespmem:s21], [sflag:$0x2] =	stream.indirect.gather [hbm4b:s9+s8], $0x40, s28, s8, $0xb8;
	[tilespmem:$0x10400] =	vst v63  }
0x11e: {  	s30 =	rddreg [dreg:$0x19]  }
0x11f: {  	[tilespmem:s20], [sflag:$0x1] =	stream.indirect.gather [hbm4b:s7+s8], $0x40, s29, s8, $0xb8;
	[tilespmem:$0x10400] =	vst v63  }
0x120: {  	s31 =	rddreg [dreg:$0x1b]  }
0x121: {  	[tilespmem:s19], [sflag:$0x2] =	stream.indirect.gather [hbm4b:s9+s8], $0x40, s30, s8, $0xb8;
	[tilespmem:$0x10400] =	vst v63  }
0x122: {  	s21 =	sld [smem:$0x7F6]  }
0x123: {  	[tilespmem:s18], [sflag:$0x1] =	stream.indirect.gather [hbm4b:s7+s8], $0x40, s31, s8, $0xb8;
	[tilespmem:$0x10400] =	vst v63  }
0x124: {  	s19 =	rddreg [dreg:$0x1d]  }
0x125: {  	[tilespmem:s17], [sflag:$0x2] =	stream.indirect.gather [hbm4b:s9+s8], $0x40, s19, s8, $0xb8;
	[tilespmem:$0x10400] =	vst v63  }
0x126: {  	s20 =	rddreg [dreg:$0x1f]  }
0x127: {  	[tilespmem:s16], [sflag:$0x1] =	stream.indirect.gather [hbm4b:s7+s8], $0x40, s20, s8, $0xb8;
	[tilespmem:$0x10400] =	vst v63  }
0x128: {  	s22 =	sld [smem:$0x7F7]  }
0x129: {  	[tilespmem:s15], [sflag:$0x2] =	stream.indirect.gather [hbm4b:s9+s8], $0x40, s21, s8, $0xb8;
	[tilespmem:$0x10400] =	vst v63  }
0x12a: {  	s23 =	sld [smem:$0x7F8]  }
0x12b: {  	[tilespmem:s14], [sflag:$0x1] =	stream.indirect.gather [hbm4b:s7+s8], $0x40, s22, s8, $0xb8;
	[tilespmem:$0x10400] =	vst v63  }
0x12c: {  	s24 =	sld [smem:$0x7F9]  }
0x12d: {  	[tilespmem:s13], [sflag:$0x2] =	stream.indirect.gather [hbm4b:s9+s8], $0x40, s23, s8, $0xb8;
	[tilespmem:$0x10400] =	vst v63  }
0x12e: {  	s28 =	sld [smem:$0x7FA]  }
0x12f: {  	[tilespmem:s12], [sflag:$0x1] =	stream.indirect.gather [hbm4b:s7+s8], $0x40, s24, s8, $0xb8;
	[tilespmem:$0x10400] =	vst v63  }
0x130: {  	s29 =	sld [smem:$0x7FB]  }
0x131: {  	[tilespmem:s11], [sflag:$0x2] =	stream.indirect.gather [hbm4b:s9+s8], $0x40, s28, s8, $0xb8;
	[tilespmem:$0x10400] =	vst v63  }
0x132: {  	s30 =	sld [smem:$0x7FC]  }
0x133: {  	[tilespmem:s10], [sflag:$0x1] =	stream.indirect.gather [hbm4b:s7+s8], $0x40, s29, s8, $0xb8;
	[tilespmem:$0x10400] =	vst v63  }
0x134: {  	s31 =	sld [smem:$0x7FD]  }
0x135: {  	[tilespmem:s0], [sflag:$0x2] =	stream.indirect.gather [hbm4b:s9+s8], $0x40, s30, s8, $0xb8;
	[tilespmem:$0x10400] =	vst v63  }
0x136: {  	s4 =	simm.s32 $0x5C00  }
0x137: {  	[tilespmem:s4], [sflag:$0x1] =	stream.indirect.gather [hbm4b:s7+s8], $0x40, s31, s8, $0xb8;
	[tilespmem:$0x10400] =	vst v63  }
0x138: {  	s12 =	simm.s32 $0xDC00;
	s11 =	simm.s32 $0x360  }
0x139: {  	[tilespmem:s12], [sflag:$0x2] =	stream.indirect.gather [hbm4b:s9+s8], $0x40, s11, s8, $0xb8;
	[tilespmem:$0x10400] =	vst v63  }
0x13a: {  	s14 =	simm.s32 $0x6400;
	s13 =	simm.s32 $0x180  }
0x13b: {  	[tilespmem:s14], [sflag:$0x1] =	stream.indirect.gather [hbm4b:s7+s8], $0x40, s13, s8, $0xb8;
	[tilespmem:$0x10400] =	vst v63  }
0x13c: {  	s16 =	simm.s32 $0xE400;
	s15 =	simm.s32 $0x380  }
0x13d: {  	[tilespmem:s16], [sflag:$0x2] =	stream.indirect.gather [hbm4b:s9+s8], $0x40, s15, s8, $0xb8;
	[tilespmem:$0x10400] =	vst v63  }
0x13e: {  	s18 =	simm.s32 $0x6C00;
	s17 =	simm.s32 $0x1A0  }
0x13f: {  	[tilespmem:s18], [sflag:$0x1] =	stream.indirect.gather [hbm4b:s7+s8], $0x40, s17, s8, $0xb8;
	[tilespmem:$0x10400] =	vst v63  }
0x140: {  	s19 =	simm.s32 $0x3A0;
	s20 =	simm.s32 $0xEC00  }
0x141: {  	[tilespmem:s20], [sflag:$0x2] =	stream.indirect.gather [hbm4b:s9+s8], $0x40, s19, s8, $0xb8;
	[tilespmem:$0x10400] =	vst v63  }
0x142: {  	s21 =	simm.s32 $0x1C0;
	s22 =	simm.s32 $0x7400  }
0x143: {  	[tilespmem:s22], [sflag:$0x1] =	stream.indirect.gather [hbm4b:s7+s8], $0x40, s21, s8, $0xb8;
	[tilespmem:$0x10400] =	vst v63  }
0x144: {  	s23 =	simm.s32 $0x3C0;
	s24 =	simm.s32 $0xF400  }
0x145: {  	[tilespmem:s24], [sflag:$0x2] =	stream.indirect.gather [hbm4b:s9+s8], $0x40, s23, s8, $0xb8;
	[tilespmem:$0x10400] =	vst v63  }
0x146: {  	s28 =	simm.s32 $0x1E0;
	s29 =	simm.s32 $0x7C00  }
0x147: {  	[tilespmem:s29], [sflag:$0x1] =	stream.indirect.gather [hbm4b:s7+s8], $0x40, s28, s8, $0xb8;
	[tilespmem:$0x10400] =	vst v63  }
0x148: {  	s30 =	simm.s32 $0x3E0;
	s31 =	simm.s32 $0xFC00  }
0x149: {  	[tilespmem:s31], [sflag:$0x2] =	stream.indirect.gather [hbm4b:s9+s8], $0x40, s30, s8, $0xb8;
	[tilespmem:$0x10400] =	vst v63  }
0x14a: {  	_ =	swait.ge [sflag:s25], $0x800  }
0x14b: {  	[sflag:s25] =	ssyncset.done $0x0  }
0x14c: {  	[sflag:s25] =	ssyncadd.s32 $0xFFFFF800  }
0x14d: {  	_ =	swait.ge [sflag:s26], $0x800  }
0x14e: {  	[sflag:s26] =	ssyncset.done $0x0  }
0x14f: {  	[sflag:s26] =	ssyncadd.s32 $0xFFFFF800  }
0x150: {  	_ =	swait.ge [sflag:s25], $0x800  }
0x151: {  	[sflag:s25] =	ssyncset.done $0x0  }
0x152: {  	[sflag:s25] =	ssyncadd.s32 $0xFFFFF800  }
0x153: {  	_ =	swait.ge [sflag:s26], $0x800  }
0x154: {  	[sflag:s26] =	ssyncset.done $0x0  }
0x155: {  	[sflag:s26] =	ssyncadd.s32 $0xFFFFF800  }
0x156: {  	_ =	swait.ge [sflag:s25], $0x800  }
0x157: {  	[sflag:s25] =	ssyncset.done $0x0  }
0x158: {  	[sflag:s25] =	ssyncadd.s32 $0xFFFFF800  }
0x159: {  	_ =	swait.ge [sflag:s26], $0x800  }
0x15a: {  	[sflag:s26] =	ssyncset.done $0x0  }
0x15b: {  	[sflag:s26] =	ssyncadd.s32 $0xFFFFF800  }
0x15c: {  	_ =	swait.ge [sflag:s25], $0x800  }
0x15d: {  	[sflag:s25] =	ssyncset.done $0x0  }
0x15e: {  	[sflag:s25] =	ssyncadd.s32 $0xFFFFF800  }
0x15f: {  	_ =	swait.ge [sflag:s26], $0x800  }
0x160: {  	[sflag:s26] =	ssyncset.done $0x0  }
0x161: {  	[sflag:s26] =	ssyncadd.s32 $0xFFFFF800  }
0x162: {  	_ =	swait.ge [sflag:s25], $0x800  }
0x163: {  	[sflag:s25] =	ssyncset.done $0x0  }
0x164: {  	[sflag:s25] =	ssyncadd.s32 $0xFFFFF800  }
0x165: {  	_ =	swait.ge [sflag:s26], $0x800  }
0x166: {  	[sflag:s26] =	ssyncset.done $0x0  }
0x167: {  	[sflag:s26] =	ssyncadd.s32 $0xFFFFF800  }
0x168: {  	_ =	swait.ge [sflag:s25], $0x800  }
0x169: {  	[sflag:s25] =	ssyncset.done $0x0  }
0x16a: {  	[sflag:s25] =	ssyncadd.s32 $0xFFFFF800  }
0x16b: {  	_ =	swait.ge [sflag:s26], $0x800  }
0x16c: {  	[sflag:s26] =	ssyncset.done $0x0  }
0x16d: {  	[sflag:s26] =	ssyncadd.s32 $0xFFFFF800  }
0x16e: {  	_ =	swait.ge [sflag:s25], $0x800  }
0x16f: {  	[sflag:s25] =	ssyncset.done $0x0  }
0x170: {  	[sflag:s25] =	ssyncadd.s32 $0xFFFFF800  }
0x171: {  	_ =	swait.ge [sflag:s26], $0x800  }
0x172: {  	[sflag:s26] =	ssyncset.done $0x0  }
0x173: {  	[sflag:s26] =	ssyncadd.s32 $0xFFFFF800  }
0x174: {  	_ =	swait.ge [sflag:s25], $0x800  }
0x175: {  	[sflag:s25] =	ssyncset.done $0x0  }
0x176: {  	[sflag:s25] =	ssyncadd.s32 $0xFFFFF800  }
0x177: {  	_ =	swait.ge [sflag:s26], $0x800  }
0x178: {  	[sflag:s26] =	ssyncset.done $0x0  }
0x179: {  	[sflag:s26] =	ssyncadd.s32 $0xFFFFF800  }
0x17a: {  	_ =	swait.ge [sflag:s25], $0x800  }
0x17b: {  	[sflag:s25] =	ssyncset.done $0x0  }
0x17c: {  	[sflag:s25] =	ssyncadd.s32 $0xFFFFF800  }
0x17d: {  	_ =	swait.ge [sflag:s26], $0x800  }
0x17e: {  	[sflag:s26] =	ssyncset.done $0x0  }
0x17f: {  	[sflag:s26] =	ssyncadd.s32 $0xFFFFF800  }
0x180: {  	_ =	swait.ge [sflag:s25], $0x800  }
0x181: {  	[sflag:s25] =	ssyncset.done $0x0  }
0x182: {  	[sflag:s25] =	ssyncadd.s32 $0xFFFFF800  }
0x183: {  	_ =	swait.ge [sflag:s26], $0x800  }
0x184: {  	[sflag:s26] =	ssyncset.done $0x0  }
0x185: {  	[sflag:s26] =	ssyncadd.s32 $0xFFFFF800  }
0x186: {  	_ =	swait.ge [sflag:s25], $0x800  }
0x187: {  	[sflag:s25] =	ssyncset.done $0x0  }
0x188: {  	[sflag:s25] =	ssyncadd.s32 $0xFFFFF800  }
0x189: {  	_ =	swait.ge [sflag:s26], $0x800  }
0x18a: {  	[sflag:s26] =	ssyncset.done $0x0  }
0x18b: {  	[sflag:s26] =	ssyncadd.s32 $0xFFFFF800  }
0x18c: {  	_ =	swait.ge [sflag:s25], $0x800  }
0x18d: {  	[sflag:s25] =	ssyncset.done $0x0  }
0x18e: {  	[sflag:s25] =	ssyncadd.s32 $0xFFFFF800  }
0x18f: {  	_ =	swait.ge [sflag:s26], $0x800  }
0x190: {  	[sflag:s26] =	ssyncset.done $0x0  }
0x191: {  	[sflag:s26] =	ssyncadd.s32 $0xFFFFF800  }
0x192: {  	_ =	swait.ge [sflag:s25], $0x800  }
0x193: {  	[sflag:s25] =	ssyncset.done $0x0  }
0x194: {  	[sflag:s25] =	ssyncadd.s32 $0xFFFFF800  }
0x195: {  	_ =	swait.ge [sflag:s26], $0x800  }
0x196: {  	[sflag:s26] =	ssyncset.done $0x0  }
0x197: {  	[sflag:s26] =	ssyncadd.s32 $0xFFFFF800  }
0x198: {  	_ =	swait.ge [sflag:s25], $0x800  }
0x199: {  	[sflag:s25] =	ssyncset.done $0x0  }
0x19a: {  	[sflag:s25] =	ssyncadd.s32 $0xFFFFF800  }
0x19b: {  	p0 =	sne.s32 s1, $0x1;
	_ =	swait.ge [sflag:s26], $0x800  }
.Ltmp1:
0x19c: {  	[sflag:s26] =	ssyncset.done $0x0;
	(pc) =	sbr.rel @p0 .LBB2_1-.Ltmp1, $4  }
0x19d: {  	[sflag:s26] =	ssyncadd.s32 $0xFFFFF800  }
0x19e: {  	_ =	swait.ge [sflag:s25], $0x800  }
0x19f: {  	[sflag:s25] =	ssyncset.done $0x0  }
0x1a0: {  	s1 =	sadd.s32 $0xFFFFFFFF, s1;
	[sflag:s25] =	ssyncadd.s32 $0xFFFFF800  }
.LBB2_2:
0x1a1: {  	_ =	swait.ge [sflag:s26], $0x800  }
0x1a2: {  	[sflag:s26] =	ssyncset.done $0x0  }
0x1a3: {  	[sflag:s26] =	ssyncadd.s32 $0xFFFFF800  }
0x1a4: {  	_ =	swait.ge [sflag:s25], $0x800  }
0x1a5: {  	[sflag:s25] =	ssyncset.done $0x0  }
0x1a6: {  	[sflag:s25] =	ssyncadd.s32 $0xFFFFF800  }
0x1a7: {  	_ =	swait.ge [sflag:s26], $0x800  }
0x1a8: {  	[sflag:s26] =	ssyncset.done $0x0  }
0x1a9: {  	s0 =	rddreg [dreg:$0x6];
	[sflag:s26] =	ssyncadd.s32 $0xFFFFF800  }
0x1aa: {  	[hbm4b:s0+s2] =	stream.linear.scatter [tilespmem:s5], [sflag:$0x3], $0x8000, $0x38;
	[tilespmem:$0x10400] =	vst v63  }
0x1ab: {  	_ =	swait.ge [sflag:s3], $0x8000  }
0x1ac: {  	[sflag:s3] =	ssyncset.done $0x0  }
0x1ad: {  	s30 =	rddreg [dreg:$0x7];
	[sflag:s3] =	ssyncadd.s32 $0xFFFF8000  }
0x1ae: {  	[hbm4b:s30+s2] =	stream.linear.scatter [tilespmem:s6], [sflag:$0x3], $0x8000, $0x38;
	[tilespmem:$0x10400] =	vst v63  }
0x1af: {  	_ =	swait.ge [sflag:s3], $0x8000  }
0x1b0: {  	[sflag:s3] =	ssyncset.done $0x0  }
0x1b1: {  	[sflag:s3] =	ssyncadd.s32 $0xFFFF8000  }
0x1b2: {  	_ =	sfence.sel $0x180000  }
0x1b3: {  	[bflag:$0x0] =	sbarrier.arrive $0xFFFF  }
0x1b4: {  	_ =	strace $0x90000047  }
0x1b5: {  	s31 =	stileid.u32;
	[bflag:$0x2] =	sbarrier.arrive $0xFFFF  }
0x1b6: {  	p0 =	sne.s32 s31, $0x0;
	s0 =	rddreg [dreg:$0x3]  }
0x1b7: {  	s0 =	sadd.s32 @!p0 $0x100000, s0  }
0x1b8: {  	[sflag:s0] =	ssyncadd.tile.s32 @!p0 $0x1;
	_ =	shalt  }
.Lfunc_end2:
_tile_overlayer_lowered:
.L_overlay_start_2:
0x1b9: {  	(tag) =	ssettag $0x2  }
0x1ba: {  	s0 =	rddreg [dreg:$0x0];
	s2 =	stileid.u32  }
0x1bb: {  	s1 =	rddreg [dreg:$0x1];
	p0 =	sne.s32 s2, $0x0  }
0x1bc: {  	s3 =	rddreg [dreg:$0x2];
	[bflag:$0x3] =	sbarrier.arrive $0xFFFF;
	s2 =	simm.s32 @!p0 $0x1C03  }
0x1bd: {  	[timem:s3], [sflag:s2] =	dma.local @!p0 [hbm:s0], s1  }
0x1be: {  	s0 =	simm.s32 @!p0 $0x3  }
0x1bf: {  	_ =	swait.ge @!p0 [sflag:s0], s1  }
0x1c0: {  	s1 =	ssub.s32 @!p0 $0x0, s1;
	[sflag:s0] =	ssyncset.done @!p0 $0x0  }
0x1c1: {  	[sflag:s0] =	ssyncadd.s32 @!p0 s1  }
0x1c2: {  	[bflag:$0x3] =	sbarrier.arrive $0xFFFF  }
0x1c3: {  	_ =	shalt  }

</sc_bundles>
